<compile_context>
chip_gen: v7x
topology: tpu7x:2x2x1
jax: 0.10.2.dev20260603
libtpu: 0.0.44.dev20260713+nightly
codegen_flags: <defaults>
</compile_context>

<pallas_src>
import jax
import jax.numpy as jnp
from jax.experimental import pallas as pl
from jax.experimental.pallas import tpu as pltpu

_B = 256
_N = 4096
_DD = 256 * 256
_TILE = 4096
_NT = _DD // _TILE


def _opd_kernel(pos_ref, obs_t_ref, dic_ref, alpha_ref, s_ref, out_ref, c_ref):
    i = pl.program_id(0)

    @pl.when(i == 0)
    def _stage_a():
        px = pos_ref[:, 0:1]
        py = pos_ref[:, 1:2]
        ox = obs_t_ref[0:1, :]
        oy = obs_t_ref[1:2, :]
        d = (px - ox) ** 2 + (py - oy) ** 2
        md = jnp.min(d, axis=1, keepdims=True)
        iota = jax.lax.broadcasted_iota(jnp.int32, (_B, _N), 1)
        idx = jnp.min(jnp.where(d == md, iota, _N), axis=1, keepdims=True)
        onehot = (iota == idx).astype(jnp.float32)
        g = jnp.dot(onehot, dic_ref[...], preferred_element_type=jnp.float32)
        c_ref[...] = jnp.dot(g, alpha_ref[...], preferred_element_type=jnp.float32)

    out_ref[...] = jnp.dot(c_ref[...], s_ref[...],
                           preferred_element_type=jnp.float32)


def kernel(positions, obs_pos, poly_dic, graph_dic, S_poly, S_graph,
           alpha_poly, alpha_graph):
    pe, pf = alpha_poly.shape
    ge, gf = alpha_graph.shape
    k = pf + gf

    dics = jnp.concatenate([poly_dic, graph_dic], axis=1)
    alpha = jnp.zeros((pe + ge, k), jnp.float32)
    alpha = alpha.at[:pe, :pf].set(alpha_poly)
    alpha = alpha.at[pe:, pf:].set(alpha_graph)
    s_cat = jnp.concatenate(
        [S_poly.reshape(pf, _DD), S_graph.reshape(gf, _DD)], axis=0)
    obs_t = obs_pos.T

    out = pl.pallas_call(
        _opd_kernel,
        grid=(_NT,),
        in_specs=[
            pl.BlockSpec((_B, 2), lambda i: (0, 0)),
            pl.BlockSpec((2, _N), lambda i: (0, 0)),
            pl.BlockSpec(dics.shape, lambda i: (0, 0)),
            pl.BlockSpec(alpha.shape, lambda i: (0, 0)),
            pl.BlockSpec((k, _TILE), lambda i: (0, i)),
        ],
        out_specs=pl.BlockSpec((_B, _TILE), lambda i: (0, i)),
        out_shape=jax.ShapeDtypeStruct((_B, _DD), jnp.float32),
        scratch_shapes=[pltpu.VMEM((_B, k), jnp.float32)],
    )(positions, obs_t, dics, alpha, s_cat)

    opd_maps = out.reshape(_B, 256, 256)
    return (opd_maps, alpha_graph)

# --- scband reference (transcript-rebuilt; emitter-appended) ---
"""Pipeline reference for scband-non-parametric-mccdopd-15582141349977 (READ-ONLY COPY).

The authoritative reference and input builder live on the scoring server;
editing this copy changes nothing except your own understanding.
"""

import jax, jax.numpy as jnp
import numpy as np

B = 256
N_TRAIN = 4096
POLY_FEAT = 6   # (d_max+1)(d_max+2)/2 with d_max=2
GRAPH_ELEMS = 64
GRAPH_FEAT = 6
OPD_DIM = 256


def setup_inputs(seed: int = 0) -> dict:
    key = jax.random.key(seed)
    ks = jax.random.split(key, 8)
    positions = jax.random.uniform(ks[0], (B, 2), dtype=jnp.float32)
    obs_pos = jax.random.uniform(ks[1], (N_TRAIN, 2), dtype=jnp.float32)
    poly_dic = jax.random.normal(ks[2], (N_TRAIN, POLY_FEAT), dtype=jnp.float32) * 0.1
    graph_dic = jax.random.normal(ks[3], (N_TRAIN, GRAPH_ELEMS), dtype=jnp.float32) * 0.1
    S_poly = jax.random.uniform(ks[4], (POLY_FEAT, OPD_DIM, OPD_DIM), minval=-0.001, maxval=0.001, dtype=jnp.float32)
    S_graph = jax.random.uniform(ks[5], (GRAPH_FEAT, OPD_DIM, OPD_DIM), minval=-0.001, maxval=0.001, dtype=jnp.float32)
    alpha_poly = jnp.eye(POLY_FEAT, dtype=jnp.float32)
    alpha_graph = jnp.eye(GRAPH_ELEMS, GRAPH_FEAT, dtype=jnp.float32)
    return {
        "positions": positions,
        "obs_pos": obs_pos,
        "poly_dic": poly_dic,
        "graph_dic": graph_dic,
        "S_poly": S_poly,
        "S_graph": S_graph,
        "alpha_poly": alpha_poly,
        "alpha_graph": alpha_graph,
    }


def reference(positions, obs_pos, poly_dic, graph_dic, S_poly, S_graph, alpha_poly, alpha_graph):
    # 1-NN index lookup: for each query position, find nearest observed position
    dists = jnp.sum((positions[:, None, :] - obs_pos[None, :, :]) ** 2, axis=-1)  # [B, N_TRAIN]
    indices = jnp.argmin(dists, axis=1)  # [B]

    # Polynomial branch
    batch_poly_dict = jnp.take(poly_dic, indices, axis=0)      # [B, POLY_FEAT]
    intermediate_poly = batch_poly_dict @ alpha_poly            # [B, POLY_FEAT]
    contribution_poly = jnp.tensordot(intermediate_poly, S_poly, axes=1)  # [B, D, D]

    # Graph branch
    batch_graph_dict = jnp.take(graph_dic, indices, axis=0)    # [B, GRAPH_ELEMS]
    intermediate_graph = batch_graph_dict @ alpha_graph         # [B, GRAPH_FEAT]
    contribution_graph = jnp.tensordot(intermediate_graph, S_graph, axes=1)  # [B, D, D]

    opd_maps = contribution_poly + contribution_graph
    aux_alpha_graph = alpha_graph
    return (opd_maps, aux_alpha_graph)

if __name__ == "__main__":
    import jax
    _d = setup_inputs()
    print(jax.jit(kernel)(*tuple(_d.values())))

</pallas_src>

<mosaic_0001>
module attributes {stable_mosaic.version = 14 : i64} {
  func.func @_opd_kernel(%arg0: i32, %arg1: memref<256x2xf32, #tpu.memory_space<vmem>>, %arg2: memref<2x4096xf32, #tpu.memory_space<vmem>>, %arg3: memref<4096x70xf32, #tpu.memory_space<vmem>>, %arg4: memref<70x12xf32, #tpu.memory_space<vmem>>, %arg5: memref<12x4096xf32, #tpu.memory_space<vmem>>, %arg6: memref<256x4096xf32, #tpu.memory_space<vmem>>, %arg7: memref<256x12xf32, #tpu.memory_space<vmem>>) attributes {dimension_semantics = [#tpu.dimension_semantics<arbitrary>], iteration_bounds = array<i64: 16>, scalar_prefetch = 0 : i64, scratch_operands = 1 : i64, tpu.core_type = #tpu.core_type<tc>, window_params = [{pipeline_mode = #tpu.pipeline_mode<synchronous>, transform_indices = @transform_0, window_bounds = array<i64: 256, 2>}, {pipeline_mode = #tpu.pipeline_mode<synchronous>, transform_indices = @transform_1, window_bounds = array<i64: 2, 4096>}, {pipeline_mode = #tpu.pipeline_mode<synchronous>, transform_indices = @transform_2, window_bounds = array<i64: 4096, 70>}, {pipeline_mode = #tpu.pipeline_mode<synchronous>, transform_indices = @transform_3, window_bounds = array<i64: 70, 12>}, {transform_indices = @transform_4, window_bounds = array<i64: 12, 4096>}, {transform_indices = @transform_5, window_bounds = array<i64: 256, 4096>}]} {
    %eq3A = arith.constant 0 : i32
    %eq3A_0 = arith.cmpi eq, %arg0, %eq3A : i32
    %convert_element_type3A = arith.extui %eq3A_0 : i1 to i32
    %cond3A = arith.constant 0 : i32
    %cond3A_1 = arith.cmpi ne, %convert_element_type3A, %cond3A : i32
    scf.if %cond3A_1 {
      %get3A_10 = arith.constant 0 : index
      %get3A_11 = arith.constant 0 : index
      %get3A_12 = vector.load %arg1[%get3A_10, %get3A_11] : memref<256x2xf32, #tpu.memory_space<vmem>>, vector<256x1xf32>
      %get3A_13 = arith.constant 0 : index
      %get3A_14 = arith.constant 1 : index
      %get3A_15 = vector.load %arg1[%get3A_13, %get3A_14] : memref<256x2xf32, #tpu.memory_space<vmem>>, vector<256x1xf32>
      %get3A_16 = arith.constant 0 : index
      %get3A_17 = arith.constant 0 : index
      %get3A_18 = vector.load %arg2[%get3A_16, %get3A_17] : memref<2x4096xf32, #tpu.memory_space<vmem>>, vector<1x4096xf32>
      %get3A_19 = arith.constant 1 : index
      %get3A_20 = arith.constant 0 : index
      %get3A_21 = vector.load %arg2[%get3A_19, %get3A_20] : memref<2x4096xf32, #tpu.memory_space<vmem>>, vector<1x4096xf32>
      %sub3A = vector.broadcast %get3A_12 : vector<256x1xf32> to vector<256x4096xf32>
      %sub3A_22 = vector.broadcast %get3A_18 : vector<1x4096xf32> to vector<256x4096xf32>
      %sub3A_23 = arith.subf %sub3A, %sub3A_22 : vector<256x4096xf32>
      %integer_pow3A = arith.mulf %sub3A_23, %sub3A_23 : vector<256x4096xf32>
      %sub3A_24 = vector.broadcast %get3A_15 : vector<256x1xf32> to vector<256x4096xf32>
      %sub3A_25 = vector.broadcast %get3A_21 : vector<1x4096xf32> to vector<256x4096xf32>
      %sub3A_26 = arith.subf %sub3A_24, %sub3A_25 : vector<256x4096xf32>
      %integer_pow3A_27 = arith.mulf %sub3A_26, %sub3A_26 : vector<256x4096xf32>
      %add3A = arith.addf %integer_pow3A, %integer_pow3A_27 : vector<256x4096xf32>
      %reduce_min3A = arith.constant dense<0x7F800000> : vector<256xf32>
      %reduce_min3A_28 = vector.multi_reduction <minimumf>, %add3A, %reduce_min3A [1] : vector<256x4096xf32> to vector<256xf32>
      %broadcast_in_dim3A = vector.shape_cast %reduce_min3A_28 : vector<256xf32> to vector<256x1xf32>
      %iota3A = tpu.iota {dimensions = array<i32: 1>} : vector<256x4096xi32>
      %eq3A_29 = vector.broadcast %broadcast_in_dim3A : vector<256x1xf32> to vector<256x4096xf32>
      %eq3A_30 = arith.cmpf oeq, %add3A, %eq3A_29 : vector<256x4096xf32>
      %jit3A = arith.constant 4096 : i32
      %broadcast_in_dim3A_31 = vector.broadcast %jit3A : i32 to vector<256x4096xi32>
      %select_n3A = arith.select %eq3A_30, %iota3A, %broadcast_in_dim3A_31 : vector<256x4096xi1>, vector<256x4096xi32>
      %reduce_min3A_32 = arith.constant dense<2147483647> : vector<256xi32>
      %reduce_min3A_33 = vector.multi_reduction <minsi>, %select_n3A, %reduce_min3A_32 [1] : vector<256x4096xi32> to vector<256xi32>
      %broadcast_in_dim3A_34 = vector.shape_cast %reduce_min3A_33 : vector<256xi32> to vector<256x1xi32>
      %eq3A_35 = vector.broadcast %broadcast_in_dim3A_34 : vector<256x1xi32> to vector<256x4096xi32>
      %eq3A_36 = arith.cmpi eq, %iota3A, %eq3A_35 : vector<256x4096xi32>
      %convert_element_type3A_37 = arith.extui %eq3A_36 : vector<256x4096xi1> to vector<256x4096xi32>
      %convert_element_type3A_38 = arith.sitofp %convert_element_type3A_37 : vector<256x4096xi32> to vector<256x4096xf32>
      %get3A_39 = arith.constant 0 : index
      %get3A_40 = arith.constant 0 : index
      %get3A_41 = vector.load %arg3[%get3A_39, %get3A_40] : memref<4096x70xf32, #tpu.memory_space<vmem>>, vector<4096x70xf32>
      %dot_general3A_42 = arith.constant dense<0.000000e+00> : vector<256x70xf32>
      %dot_general3A_43 = tpu.matmul %convert_element_type3A_38, %get3A_41, %dot_general3A_42 {dimension_numbers = #tpu.dot_dimension_numbers<[1], [0], [0], [1], [0, 0, 1, 1], [], []>, transpose_lhs_hint = false} : vector<256x4096xf32>, vector<4096x70xf32>, vector<256x70xf32> -> vector<256x70xf32>
      %get3A_44 = arith.constant 0 : index
      %get3A_45 = arith.constant 0 : index
      %get3A_46 = vector.load %arg4[%get3A_44, %get3A_45] : memref<70x12xf32, #tpu.memory_space<vmem>>, vector<70x12xf32>
      %dot_general3A_47 = arith.constant dense<0.000000e+00> : vector<256x12xf32>
      %dot_general3A_48 = tpu.matmul %dot_general3A_43, %get3A_46, %dot_general3A_47 {dimension_numbers = #tpu.dot_dimension_numbers<[1], [0], [0], [1], [0, 0, 1, 1], [], []>, transpose_lhs_hint = false} : vector<256x70xf32>, vector<70x12xf32>, vector<256x12xf32> -> vector<256x12xf32>
      %swap3A_49 = arith.constant 0 : index
      %swap3A_50 = arith.constant 0 : index
      %swap3A_51 = vector.load %arg7[%swap3A_49, %swap3A_50] : memref<256x12xf32, #tpu.memory_space<vmem>>, vector<256x12xf32>
      tpu.vector_store %arg7[%swap3A_49, %swap3A_50], %dot_general3A_48 {strides = array<i32>} : memref<256x12xf32, #tpu.memory_space<vmem>>, vector<256x12xf32>,
    } else {
    }
    %get3A = arith.constant 0 : index
    %get3A_2 = arith.constant 0 : index
    %get3A_3 = vector.load %arg7[%get3A, %get3A_2] : memref<256x12xf32, #tpu.memory_space<vmem>>, vector<256x12xf32>
    %get3A_4 = arith.constant 0 : index
    %get3A_5 = arith.constant 0 : index
    %get3A_6 = vector.load %arg5[%get3A_4, %get3A_5] : memref<12x4096xf32, #tpu.memory_space<vmem>>, vector<12x4096xf32>
    %dot_general3A = arith.constant dense<0.000000e+00> : vector<256x4096xf32>
    %dot_general3A_7 = tpu.matmul %get3A_3, %get3A_6, %dot_general3A {dimension_numbers = #tpu.dot_dimension_numbers<[1], [0], [0], [1], [0, 0, 1, 1], [], []>, transpose_lhs_hint = false} : vector<256x12xf32>, vector<12x4096xf32>, vector<256x4096xf32> -> vector<256x4096xf32>
    %swap3A = arith.constant 0 : index
    %swap3A_8 = arith.constant 0 : index
    %swap3A_9 = vector.load %arg6[%swap3A, %swap3A_8] : memref<256x4096xf32, #tpu.memory_space<vmem>>, vector<256x4096xf32>
    tpu.vector_store %arg6[%swap3A, %swap3A_8], %dot_general3A_7 {strides = array<i32>} : memref<256x4096xf32, #tpu.memory_space<vmem>>, vector<256x4096xf32>,
    return
  }
  func.func @transform_0(%arg0: i32) -> (i32, i32) {
    %c0_i32 = arith.constant 0 : i32
    %c0_i32_0 = arith.constant 0 : i32
    %c0_i32_1 = arith.constant 0 : i32
    return %c0_i32, %c0_i32_0 : i32, i32
  }
  func.func @transform_1(%arg0: i32) -> (i32, i32) {
    %c0_i32 = arith.constant 0 : i32
    %c0_i32_0 = arith.constant 0 : i32
    %c0_i32_1 = arith.constant 0 : i32
    return %c0_i32, %c0_i32_0 : i32, i32
  }
  func.func @transform_2(%arg0: i32) -> (i32, i32) {
    %c0_i32 = arith.constant 0 : i32
    %c0_i32_0 = arith.constant 0 : i32
    %c0_i32_1 = arith.constant 0 : i32
    return %c0_i32, %c0_i32_0 : i32, i32
  }
  func.func @transform_3(%arg0: i32) -> (i32, i32) {
    %c0_i32 = arith.constant 0 : i32
    %c0_i32_0 = arith.constant 0 : i32
    %c0_i32_1 = arith.constant 0 : i32
    return %c0_i32, %c0_i32_0 : i32, i32
  }
  func.func @transform_4(%arg0: i32) -> (i32, i32) {
    %c0_i32 = arith.constant 0 : i32
    %c0_i32_0 = arith.constant 0 : i32
    return %c0_i32, %arg0 : i32, i32
  }
  func.func @transform_5(%arg0: i32) -> (i32, i32) {
    %c0_i32 = arith.constant 0 : i32
    %c0_i32_0 = arith.constant 0 : i32
    return %c0_i32, %arg0 : i32, i32
  }
}

</mosaic_0001>

<sc_bundles>
// kernel: sparse-core-data-format-call.cloned.1.call-start
scs
called_computation_lowered:
.L_overlay_start_0:
0x0: {  	s2 =	sld [smem:$0x3FD9]  }
0x1: {  	s3 =	sld [smem:$0x3FFE];
	_ =	sdelay $0x1  }
0x2: {  	s1 =	srdreg.scid  }
0x3: {  	s0 =	sand.u32 $0x1, s1  }
0x4: {  	s15 =	sshll.u32 s0, $0xA;
	s2 =	sadd.s32 s3, s2  }
0x5: {  	s2 =	sadd.s32 s2, s15  }
0x6: {  	[smem:$0x3FC0] =	sst s2  }
0x7: {  	_ = 	snop  }
0x8: {  	s2 =	sld [smem:$0x3FD0];
	_ =	sdelay $0x2  }
0x9: {  	s16 =	simm.s32 $0xA;
	s4 =	simm.s32 $0x10  }
0xa: {  	[smem:s4], [sflag:s16] =	dma.local [hbm:s2], $0x1  }
0xb: {  	_ =	swait.eq [sflag:s16], $0x1  }
0xc: {  	[sflag:s16] =	ssyncset.done $0x0  }
0xd: {  	[sflag:s16] =	ssyncadd.s32 $0xFFFFFFFF  }
0xe: {  	s17 =	sld [smem:$0x10];
	(tm) =	ssettm $0x1  }
0xf: {  	s18 =	sld [smem:$0x3FFB];
	_ =	sdelay $0x3  }
0x10: {  	_ =	strace s18  }
0x11: {  	s3 =	sld [smem:$0x3FFC];
	_ =	sdelay $0x3  }
0x12: {  	_ =	strace s3  }
0x13: {  	s3 =	sld [smem:$0x3FFD];
	_ =	sdelay $0x3  }
0x14: {  	_ =	strace s3  }
0x15: {  	_ =	strace $0x8FFFFFFF  }
0x16: {  	s19 =	sld [smem:$0x3FDB];
	_ =	sdelay $0x1  }
0x17: {  	s20 =	simm.s32 $_scs_section_size  }
0x18: {  	s5 =	simm.s32 $_size__tile_overlayer_lowered;
	s6 =	simm.s32 $_tile_overlayer_lowered  }
0x19: {  	s23 =	simm.s32 $0x1BFF;
	s22 =	sshll.u32 s6, $0x1;
	s3 =	sadd.s32 s20, s19  }
0x1a: {  	s7 =	simm.s32 $0x0;
	s21 =	sshll.u32 s5, $0x1;
	s5 =	sadd.s32 s22, s3  }
0x1b: {  	[timem:s7], [sflag:s23] =	dma.local [hbm:s5], s21  }
0x1c: {  	_ =	swait.ge [sflag:s23], s21  }
0x1d: {  	s4 =	ssub.s32 $0x0, s21;
	[sflag:s23] =	ssyncset.done $0x0  }
0x1e: {  	[sflag:s23] =	ssyncadd.s32 s4;
	_ =	sdelay $0x1  }
0x1f: {  	s24 =	simm.s32 $0x1B8B  }
0x20: {  	_ =	swait.ge [sflag:s24], $0x1  }
0x21: {  	[sflag:s24] =	ssyncset.done $0x0  }
0x22: {  	s26 =	simm.s32 $0x1B8E;
	s25 =	sld [smem:$0x3FFE];
	[sflag:s24] =	ssyncadd.s32 $0xFFFFFFFF  }
0x23: {  	s27 =	simm.s32 $execute0_lowered;
	[smem:$0x3FD2] =	sst s26  }
0x24: {  	s5 =	sshll.u32 s27, $0x1;
	_ =	strace $0x80000046;
	[dreg:$0x1] =	wrdreg $0xFFFFFFFF  }
0x25: {  	s28 =	simm.s32 $_size_execute0_lowered;
	s3 =	sadd.s32 s3, s5;
	[dreg:$0x0] =	wrdreg $0x0  }
0x26: {  	s5 =	sshll.u32 s28, $0x1;
	[dreg:$0x2] =	wrdreg s3  }
0x27: {  	[dreg:$0x3] =	wrdreg s5  }
0x28: {  	[dreg:$0x4] =	wrdreg $0xC0  }
0x29: {  	_ =	task [dreg:s7], $0x5FFFF  }
0x2a: {  	[dreg:$0x1] =	wrdreg $0xFFFFFFFF  }
0x2b: {  	[dreg:$0x0] =	wrdreg $0x60  }
0x2c: {  	[dreg:$0x2] =	wrdreg s25  }
0x2d: {  	[dreg:$0x3] =	wrdreg s17  }
0x2e: {  	[dreg:$0x4] =	wrdreg $0x9  }
0x2f: {  	_ =	task.clear_ibuf [dreg:s7], $0x5FFFF;
	_ =	strace $0x90000046  }
0x30: {  	s29 =	simm.s32 $0x9;
	_ =	strace $0x80000048  }
0x31: {  	_ =	swait.ge [sflag:s29], $0x1  }
0x32: {  	[sflag:s29] =	ssyncadd.s32 $0xFFFFFFFF  }
0x33: {  	_ =	strace $0x90000048  }
0x34: {  	_ =	sfence  }
0x35: {  	s30 =	sld [smem:$0x0];
	_ =	sdelay $0x2  }
0x36: {  	s31 =	sshll.u32 s1, $0xD;
	s1 =	sshrl.u32 s1, $0x2  }
0x37: {  	s3 =	sand.u32 $0x4000, s31;
	s1 =	sadd.s32 s1, s30  }
0x38: {  	s0 =	sor.u32 s3, s0;
	s1 =	sshll.u32 s1, $0x11  }
0x39: {  	s0 =	sor.u32 s1, s0  }
0x3a: {  	s0 =	sadd.s32 $0x8F2B, s0  }
0x3b: {  	[sflag:s0] =	ssyncadd.remote.s32 $0x1  }
0x3c: {  	_ =	sfence.sel $0xFFFF  }
0x3d: {  	[dreg:$0x0] =	wrdreg $0xFFFFFFFF;
	(pc) =	sbr.abs _section_cstart, $3  }
0x3e: {  	[dreg:$0x1] =	wrdreg $0xFFFFFFFF  }
0x3f: {  	_ =	task.clear_ibuf [dreg:s7], $0x2FFFF;
	_ =	strace $0x9FFFFFFF  }
0x40: {  	(tm) =	ssettm $0x7FFFFFFF  }
0x41: {  	_ =	shalt  }
tec
execute0_lowered:
.L_overlay_start_1:
0x0: {  	(tag) =	ssettag $0x1  }
0x1: {  	s1 =	rddreg [dreg:$0x0]  }
0x2: {  	s2 =	rddreg [dreg:$0x1]  }
0x3: {  	s0 =	rddreg [dreg:$0x2]  }
0x4: {  	_ =	strace $0x80000047;
	s4 =	srdreg.scid;
	s6 =	simm.s32 $0x2  }
0x5: {  	s11 =	simm.s32 $0x0;
	p0 =	por $0x0, $0x0;
	s7 =	simm.s32 $0x10000  }
.Ltmp0:
0x6: {  	s12 =	simm.s32 $0x0;
	s9 =	simm.s32 $0x0;
	(pc) =	sbr.rel .LBB1_1-.Ltmp0, $4  }
0x7: {  	s8 =	simm.s32 $0x0;
	s3 =	sadd.s32 $0x1400, s1;
	s5 =	sshll.u32 s4, $0x4  }
0x8: {  	s1 =	stileid.u32;
	s4 =	simm.s32 $0x1;
	s5 =	sand.u32 $0x10, s5  }
0x9: {  	s18 =	simm.s32 $0x0;
	[sflag:s4] =	ssyncpa.u1 $0x0;
	s5 =	sor.u32 s1, s5  }
0xa: {  	[sflag:s6] =	ssyncpa.u1 $0x0;
	s6 =	simm.s32 $0x800;
	s10 =	smov.u32 s5  }
.LBB1_7:
0xb: {  	s13 =	sadd.s32 $0x8, s9  }
0xc: {  	s11 =	sadd.s32 $0x20, s10;
	s15 =	smov.u32 s10;
	p2 =	sgt.s32 s13, $0xFF  }
0xd: {  	p1 =	slt.u32 s8, $0x2;
	s15 =	smov.u32 @p2 s11  }
0xe: {  	s8 =	sadd.s32 $0x1, s8;
	s13 =	simm.s32 @p2 $0x0;
	p2 =	sgt.s32 s15, $0x1F  }
0xf: {  	s15 =	smov.u32 @p2 s5;
	p2 =	sne.s32 s8, $0x22  }
.Ltmp1:
0x10: {  	_ = 	snop;
	(pc) =	sbr.rel @!p2 .LBB1_8-.Ltmp1, $4  }
0x11: {  	s14 =	simm.s32 @!p1 $0x2  }
0x12: {  	s12 =	smov.u32 s10;
	_ =	swait.ge @!p1 [sflag:s14], $0x4000  }
0x13: {  	p0 =	por !p0, !p0;
	s11 =	smov.u32 s9;
	[sflag:s14] =	ssyncset.done @!p1 $0x0  }
0x14: {  	s9 =	smov.u32 s13;
	[sflag:s14] =	ssyncadd.s32 @!p1 $0xFFFFC000;
	s10 =	smov.u32 s15  }
.LBB1_1:
0x15: {  	p1 =	sgt.u32 s8, $0x1F  }
0x16: {  	s13 =	sxor.u32 @!p1 $0xFFFFFFFF, s8;
	s14 =	sshll.u32 @!p1 s10, $0x10  }
0x17: {  	s15 =	sshll.u32 @!p1 s9, $0x8;
	s13 =	sshll.u32 @!p1 s13, $0xE;
	s14 =	sadd.s32 @!p1 s3, s14  }
0x18: {  	s13 =	sand.u32 @!p1 $0x4000, s13;
	s14 =	sadd.s32 @!p1 s15, s14;
	s15 =	simm.s32 @!p1 $0x0  }
0x19: {  	[tilespmem:s13], [sflag:$0x1] =	stream.linear.gather @!p1 [hbm4b:s14+s15], $0x4000, $0x38;
	[tilespmem:$0x10000] =	vst v63  }
0x1a: {  	p1 =	seq.s32 s8, $0x0  }
0x1b: {  	p2 =	seq.s32 @!p1 s8, $0x21  }
0x1c: {  	p1 =	por p1, p2  }
.Ltmp2:
0x1d: {  	_ = 	snop;
	(pc) =	sbr.rel @p1 .LBB1_7-.Ltmp2, $1  }
0x1e: {  	_ =	sdelay $0x3  }
0x1f: {  	s13 =	simm.s32 $0x1  }
0x20: {  	_ =	swait.ge [sflag:s4], $0x4000;
	s31 =	sshll.u32 s8, $0xE;
	p1 =	por $0x0, $0x0  }
0x21: {  	s19 =	simm.s32 $0x0;
	s20 =	simm.s32 $0x0;
	s13 =	simm.s32 @!p0 $0x0  }
0x22: {  	[sflag:s4] =	ssyncset.done $0x0;
	s16 =	sand.u32 $0x4000, s31;
	s13 =	sshll.u32 s13, $0x10  }
0x23: {  	[sflag:s4] =	ssyncadd.s32 $0xFFFFC000;
	s17 =	sshrl.u32 s13, $0x2;
	s13 =	sor.u32 $0x8000, s16  }
0x24: {  	s14 =	sor.u32 $0x40, s17;
	s15 =	sor.u32 $0x8410, s17;
	s17 =	sadd.s32 $0x8400, s17  }
.LBB1_3:
0x25: {  	v1 =	vld [tilespmem:s14+$0xFFFFFFD0]  }
0x26: {  	v2 =	vld [tilespmem:s14+$0x430]  }
0x27: {  	s21 =	sshll.u32 s20, $0xB;
	v4 =	vld [tilespmem:s14+$0xFFFFFFE0]  }
0x28: {  	v7 =	vld [tilespmem:s14+$0xFFFFFFF0];
	v0 =	vmov s21  }
0x29: {  	v8 =	vld [tilespmem:s14+$0x0]  }
0x2a: {  	s30 =	sand.u32 $0x300, s18;
	v9 =	vld [tilespmem:s14+$0x10]  }
0x2b: {  	s22 =	sand.u32 $0x80, s18;
	v10 =	vld [tilespmem:s14+$0x20];
	s21 =	sadd.s32 s30, s16  }
0x2c: {  	v11 =	vld [tilespmem:s14+$0x30];
	s21 =	sadd.s32 s22, s21;
	s22 =	simm.s32 $0x1;
	[tilespmem:s15+$0x60] =	vst v2  }
0x2d: {  	s31 =	sshll.u32 s19, $0x2;
	s22 =	simm.s32 @!p1 $0x0;
	[tilespmem:s15+$0xFFFFFC00] =	vst v1;
	v3 =	vld.idx.msk [tilespmem:v0+s21+$0x400 ss:$0x1], $0xffff  }
0x2e: {  	v6 =	vld [tilespmem:s14+$0x3D0];
	s22 =	sshll.u32 s22, $0x9;
	[tilespmem:s15+$0xFFFFFC10] =	vst v4;
	s21 =	sand.u32 $0xFFFFFC00, s31  }
0x2f: {  	v5 =	vld [tilespmem:s14+$0x3E0];
	[tilespmem:s15+$0xFFFFFC20] =	vst v7;
	s21 =	sor.u32 s22, s21  }
0x30: {  	[tilespmem:s15+$0xFFFFFC30] =	vst v8;
	v4 =	vld [tilespmem:s14+$0x400];
	s21 =	sshrl.u32 s21, $0x2  }
0x31: {  	[tilespmem:s15+$0xFFFFFC40] =	vst v9;
	v1 =	vld [tilespmem:s14+$0x410];
	s21 =	sadd.s32 s21, s17  }
0x32: {  	[tilespmem:s21+$0x0] =	vst v3;
	v3 =	vld [tilespmem:s14+$0x3F0]  }
0x33: {  	s25 =	simm.s32 $0x80;
	s24 =	simm.s32 $0x100;
	[tilespmem:s15+$0xFFFFFC50] =	vst v10;
	v2 =	vld [tilespmem:s14+$0x420]  }
0x34: {  	s23 =	smov.u32 s15;
	s26 =	sand.u32 $0x300, s25;
	v7 =	vld [tilespmem:s14+$0xFFFFFFC0];
	[tilespmem:s15+$0xFFFFFC60] =	vst v11;
	s22 =	sadd.s32 $0x80, s14  }
.LBB1_4:
0x35: {  	p2 =	sne.s32 s24, $0x380;
	v8 =	vld [tilespmem:s22+$0xFFFFFFD0];
	s25 =	sand.u32 $0x80, s25;
	s26 =	sadd.s32 s26, s16;
	[tilespmem:s23+$0x0] =	vst v6  }
0x36: {  	s26 =	sadd.s32 s25, s26;
	v6 =	vld [tilespmem:s22+$0x430];
	[tilespmem:s23+$0x10] =	vst v5;
	s25 =	smov.u32 s24  }
0x37: {  	v5 =	vld.idx.msk [tilespmem:v0+s26+$0x400 ss:$0x1], $0xffff;
	[tilespmem:s23+$0x20] =	vst v3  }
0x38: {  	v3 =	vld [tilespmem:s22+$0xFFFFFFE0];
	[tilespmem:s23+$0x30] =	vst v4  }
0x39: {  	v4 =	vld [tilespmem:s22+$0xFFFFFFF0];
	[tilespmem:s23+$0xFFFFFBF0] =	vst v7  }
0x3a: {  	v7 =	vld [tilespmem:s22+$0x0];
	[tilespmem:s23+$0x40] =	vst v1  }
0x3b: {  	v1 =	vld [tilespmem:s22+$0x10];
	[tilespmem:s23+$0x50] =	vst v2;
	s23 =	sadd.s32 $0x800, s23  }
0x3c: {  	s21 =	sadd.s32 $0x800, s21;
	v2 =	vld [tilespmem:s22+$0x20];
	[tilespmem:s23+$0x60] =	vst v6  }
0x3d: {  	v9 =	vld [tilespmem:s22+$0x30];
	[tilespmem:s21+$0x0] =	vst v5  }
0x3e: {  	[tilespmem:s23+$0xFFFFFC00] =	vst v8;
	v6 =	vld [tilespmem:s22+$0x3D0]  }
0x3f: {  	[tilespmem:s23+$0xFFFFFC10] =	vst v3;
	v5 =	vld [tilespmem:s22+$0x3E0]  }
.Ltmp3:
0x40: {  	[tilespmem:s23+$0xFFFFFC20] =	vst v4;
	v3 =	vld [tilespmem:s22+$0x3F0];
	(pc) =	sbr.rel @p2 .LBB1_4-.Ltmp3, $4  }
0x41: {  	[tilespmem:s23+$0xFFFFFC30] =	vst v7;
	v4 =	vld [tilespmem:s22+$0x400]  }
0x42: {  	[tilespmem:s23+$0xFFFFFC40] =	vst v1;
	v1 =	vld [tilespmem:s22+$0x410]  }
0x43: {  	[tilespmem:s23+$0xFFFFFC50] =	vst v2;
	v2 =	vld [tilespmem:s22+$0x420]  }
0x44: {  	s24 =	sadd.s32 $0x80, s24;
	s26 =	sand.u32 $0x300, s25;
	v7 =	vld [tilespmem:s22+$0xFFFFFFC0];
	[tilespmem:s23+$0xFFFFFC60] =	vst v9;
	s22 =	sadd.s32 $0x80, s22  }
0x45: {  	[tilespmem:s23+$0x0] =	vst v6  }
0x46: {  	[tilespmem:s23+$0x10] =	vst v5  }
0x47: {  	v49 =	vld [tilespmem:s22+$0x430];
	[tilespmem:s23+$0x20] =	vst v3  }
0x48: {  	v50 =	vld [tilespmem:s22+$0xFFFFFFD0];
	[tilespmem:s23+$0x30] =	vst v4  }
0x49: {  	v51 =	vld [tilespmem:s22+$0xFFFFFFE0];
	[tilespmem:s23+$0x40] =	vst v1  }
0x4a: {  	v52 =	vld [tilespmem:s22+$0xFFFFFFF0];
	[tilespmem:s23+$0x50] =	vst v2  }
0x4b: {  	s31 =	sadd.s32 $0x800, s23;
	v53 =	vld [tilespmem:s22+$0x0];
	[tilespmem:s23+$0xFFFFFBF0] =	vst v7  }
0x4c: {  	v54 =	vld [tilespmem:s22+$0x10];
	[tilespmem:s31+$0x60] =	vst v49  }
0x4d: {  	v55 =	vld [tilespmem:s22+$0x20];
	[tilespmem:s31+$0xFFFFFC00] =	vst v50  }
0x4e: {  	v56 =	vld [tilespmem:s22+$0x30];
	[tilespmem:s31+$0xFFFFFC10] =	vst v51  }
0x4f: {  	v57 =	vld [tilespmem:s22+$0x3D0];
	[tilespmem:s31+$0xFFFFFC20] =	vst v52  }
0x50: {  	v58 =	vld [tilespmem:s22+$0x3E0];
	[tilespmem:s31+$0xFFFFFC30] =	vst v53  }
0x51: {  	v59 =	vld [tilespmem:s22+$0x3F0];
	[tilespmem:s31+$0xFFFFFC40] =	vst v54  }
0x52: {  	v60 =	vld [tilespmem:s22+$0x400];
	[tilespmem:s31+$0xFFFFFC50] =	vst v55  }
0x53: {  	v61 =	vld [tilespmem:s22+$0xFFFFFFC0];
	[tilespmem:s31+$0xFFFFFC60] =	vst v56  }
0x54: {  	s24 =	sand.u32 $0x80, s25;
	s30 =	sadd.s32 s26, s16;
	v62 =	vld [tilespmem:s22+$0x410];
	[tilespmem:s31+$0x0] =	vst v57  }
0x55: {  	v63 =	vld [tilespmem:s22+$0x420];
	s20 =	sadd.s32 $0x1, s20;
	s24 =	sadd.s32 s24, s30;
	[tilespmem:s31+$0x10] =	vst v58  }
0x56: {  	p2 =	sne.s32 s20, $0x8;
	v0 =	vld.idx.msk [tilespmem:v0+s24+$0x400 ss:$0x1], $0xffff;
	[tilespmem:s31+$0x20] =	vst v59  }
.Ltmp4:
0x57: {  	[tilespmem:s31+$0x30] =	vst v60;
	(pc) =	sbr.rel @p2 .LBB1_3-.Ltmp4, $4  }
0x58: {  	[tilespmem:s31+$0xFFFFFBF0] =	vst v61  }
0x59: {  	[tilespmem:s31+$0x40] =	vst v62  }
0x5a: {  	s21 =	sadd.s32 $0x800, s21;
	s14 =	sadd.s32 $0x800, s14;
	[tilespmem:s31+$0x50] =	vst v63  }
0x5b: {  	s19 =	sadd.s32 $0x80, s19;
	p1 =	por !p1, !p1;
	s15 =	sadd.s32 $0x80, s15;
	[tilespmem:s21+$0x0] =	vst v0  }
0x5c: {  	s14 =	sshll.u32 s11, $0x8;
	s31 =	sshll.u32 s11, $0x7  }
.Ltmp5:
0x5d: {  	s14 =	sand.u32 $0xF800, s14;
	s11 =	sand.u32 $0x380, s31;
	(pc) =	sbr.rel .LBB1_7-.Ltmp5, $4  }
0x5e: {  	s12 =	sshll.u32 s12, $0x10;
	s11 =	sor.u32 s11, s14  }
0x5f: {  	s12 =	sadd.s32 s2, s12;
	s11 =	sshrl.u32 s11, $0x3  }
0x60: {  	s11 =	sadd.s32 s11, s12  }
0x61: {  	[hbm4b:s11+s6] =	stream.strided.scatter [tilespmem:s13], [sflag:$0x2], $0x4000, s7, s6, $0x38;
	[tilespmem:$0x10000] =	vst v63  }
.LBB1_8:
0x62: {  	_ =	sfence.sel $0x180000  }
0x63: {  	s2 =	simm.s32 $0x1;
	[bflag:$0x0] =	sbarrier.arrive $0xFFFF  }
0x64: {  	s31 =	simm.s32 $0x2;
	[sflag:s2] =	ssyncpa.u1 $0x1  }
0x65: {  	[sflag:s31] =	ssyncpa.u1 $0x1  }
0x66: {  	p0 =	sne.s32 s1, $0x0;
	_ =	strace $0x90000047  }
0x67: {  	s0 =	sadd.s32 @!p0 $0x100000, s0;
	[bflag:$0x2] =	sbarrier.arrive $0xFFFF  }
0x68: {  	[sflag:s0] =	ssyncadd.tile.s32 @!p0 $0x1;
	_ =	shalt  }
.Lfunc_end1:
_tile_overlayer_lowered:
.L_overlay_start_2:
0x69: {  	(tag) =	ssettag $0x2  }
0x6a: {  	s0 =	rddreg [dreg:$0x0];
	s2 =	stileid.u32  }
0x6b: {  	s1 =	rddreg [dreg:$0x1];
	p0 =	sne.s32 s2, $0x0  }
0x6c: {  	s3 =	rddreg [dreg:$0x2];
	[bflag:$0x3] =	sbarrier.arrive $0xFFFF;
	s2 =	simm.s32 @!p0 $0x1C01  }
0x6d: {  	[timem:s3], [sflag:s2] =	dma.local @!p0 [hbm:s0], s1  }
0x6e: {  	s0 =	simm.s32 @!p0 $0x1  }
0x6f: {  	_ =	swait.ge @!p0 [sflag:s0], s1  }
0x70: {  	s1 =	ssub.s32 @!p0 $0x0, s1;
	[sflag:s0] =	ssyncset.done @!p0 $0x0  }
0x71: {  	[sflag:s0] =	ssyncadd.s32 @!p0 s1  }
0x72: {  	[bflag:$0x3] =	sbarrier.arrive $0xFFFF  }
0x73: {  	_ =	shalt  }

</sc_bundles>
